<compile_context>
chip_gen: v7x
topology: tpu7x:2x2x1
jax: 0.10.2.dev20260603
libtpu: 0.0.44.dev20260713+nightly
codegen_flags: <defaults>
</compile_context>

<pallas_src>
import functools

import jax
import jax.numpy as jnp
from jax import lax
from jax.experimental import pallas as pl
from jax.experimental.pallas import tpu as pltpu
from jax.experimental.pallas import tpu_sc as plsc

V = 10000
K = 32
F = 128
B = V * K

_info = plsc.get_sparse_core_info()
NC = _info.num_cores
NS = _info.num_subcores
NW = NC * NS
R = B // NW
G = 80
NG = R // G
NBUF = 3
_MAIN = (NG // NBUF) * NBUF


_STAGE = 624


def _body(feat_hbm, idx_hbm, out_hbm, feat_sh, idx_v, bufs, gsems, wsems,
          ssem):
    k_w = lax.axis_index("s") * NC + lax.axis_index("c")

    s = lax.axis_index("s")
    stage = pltpu.make_async_copy(feat_hbm.at[pl.ds(s * _STAGE, _STAGE)],
                                  feat_sh.at[pl.ds(s * _STAGE, _STAGE)],
                                  ssem)
    tail = pltpu.make_async_copy(
        feat_hbm.at[pl.ds(NS * _STAGE, V - NS * _STAGE)],
        feat_sh.at[pl.ds(NS * _STAGE, V - NS * _STAGE)], ssem)
    stage.start()

    @pl.when(s == 0)
    def _():
        tail.start()

    pltpu.sync_copy(idx_hbm.at[k_w], idx_v)

    def gather_hbm(j, b):
        return pltpu.make_async_copy(feat_hbm.at[idx_v.at[j]], bufs[b],
                                     gsems[b])

    def gather(j, b):
        return pltpu.make_async_copy(feat_sh.at[idx_v.at[j]], bufs[b],
                                     gsems[b])

    def write(j, b):
        return pltpu.make_async_copy(bufs[b],
                                     out_hbm.at[pl.ds(j * G, G),
                                                pl.ds(k_w * F, F)],
                                     wsems[b])

    for b in range(NBUF - 1):
        gather_hbm(b, b).start()

    stage.wait()

    @pl.when(s == 0)
    def _():
        tail.wait()

    plsc.subcore_barrier()

    def slot(j, b, bp):
        @pl.when(j >= 1)
        def _():
            write(j - 1, bp).wait()

        @pl.when(j + NBUF - 1 < NG)
        def _():
            gather(j + NBUF - 1, bp).start()

        gather(j, b).wait()
        write(j, b).start()

    def step(g, carry):
        for b in range(NBUF):
            slot(g + b, b, (b + NBUF - 1) % NBUF)
        return carry

    lax.fori_loop(0, _MAIN // NBUF, lambda i, c: step(i * NBUF, c), 0,
                  unroll=False)
    for j in range(_MAIN, NG):
        slot(j, j % NBUF, (j + NBUF - 1) % NBUF)
    write(NG - 1, (NG - 1) % NBUF).wait()


@functools.partial(
    pl.kernel,
    out_type=jax.ShapeDtypeStruct((V, K * F), jnp.float32),
    mesh=plsc.VectorSubcoreMesh(core_axis_name="c", subcore_axis_name="s"),
    scratch_types=[
        pltpu.VMEM_SHARED((V, F), jnp.float32),
        pltpu.VMEM((NG, G), jnp.int32),
        [pltpu.VMEM((G, F), jnp.float32)] * NBUF,
        [pltpu.SemaphoreType.DMA] * NBUF,
        [pltpu.SemaphoreType.DMA] * NBUF,
        pltpu.SemaphoreType.DMA,
    ],
)
def _gather_rows(feat_hbm, idx_hbm, out_hbm, feat_sh, idx_v, bufs, gsems,
                 wsems, ssem):
    _body(feat_hbm, idx_hbm, out_hbm, feat_sh, idx_v, bufs, gsems, wsems,
          ssem)


def kernel(features, nidx):
    idx_t = nidx.astype(jnp.int32).T.reshape(K, NG, G)
    return _gather_rows(features, idx_t)

# --- scband reference (transcript-rebuilt; emitter-appended) ---
"""Pipeline reference for scband-local-cluster-reshape-from-neighbours-62629213110355 (READ-ONLY COPY).

The authoritative reference and input builder live on the scoring server;
editing this copy changes nothing except your own understanding.
"""

import jax, jax.numpy as jnp
import numpy as np

V = 10000
K = 32
F = 128

def setup_inputs(seed: int = 0) -> dict:
    key = jax.random.key(seed)
    k1, k2 = jax.random.split(key)
    features = jax.random.normal(k1, (V, F), dtype=jnp.float32)
    nidx = jax.random.randint(k2, (V, K), 0, V, dtype=jnp.int64)
    return {"features": features, "nidx": nidx}

def reference(features, nidx):
    # GraphClusterReshape (core of LocalClusterReshapeFromNeighbours):
    # gather neighbour features, zero out entries where nidx < 0 (padding),
    # then flatten the K neighbour feature vectors into one per cluster row.
    nidx32 = nidx.astype(jnp.int32)
    safe_idx = jnp.where(nidx32 < 0, 0, nidx32)           # clamp -1 padding to 0
    gfeat = jnp.take(features, safe_idx, axis=0)          # [V', K, F] gather
    gfeat = jnp.where(nidx32[..., None] < 0, jnp.float32(0.0), gfeat)
    out = gfeat.reshape(-1, K * F)                        # [V', K*F]
    return out

if __name__ == "__main__":
    import jax
    _d = setup_inputs()
    print(jax.jit(kernel)(*tuple(_d.values())))

</pallas_src>

<mosaic_0001>
#map = affine_map<(d0, d1) -> (0, 0)>
#map1 = affine_map<(d0, d1) -> (0, 0, 0)>
module attributes {stable_mosaic.version = 14 : i64} {
  func.func @_gather_rows(%arg0: i32, %arg1: i32, %arg2: memref<10000x128xf32, #tpu.memory_space<hbm>>, %arg3: memref<32x125x80xi32, #tpu.memory_space<hbm>>, %arg4: memref<10000x4096xf32, #tpu.memory_space<hbm>>, %arg5: memref<10000x128xf32, #tpu.memory_space<vmem_shared>>, %arg6: memref<125x80xi32, #tpu.memory_space<vmem>>, %arg7: memref<80x128xf32, #tpu.memory_space<vmem>>, %arg8: memref<80x128xf32, #tpu.memory_space<vmem>>, %arg9: memref<80x128xf32, #tpu.memory_space<vmem>>, %arg10: memref<!tpu.dma_semaphore, #tpu.memory_space<semaphore_mem>>, %arg11: memref<!tpu.dma_semaphore, #tpu.memory_space<semaphore_mem>>, %arg12: memref<!tpu.dma_semaphore, #tpu.memory_space<semaphore_mem>>, %arg13: memref<!tpu.dma_semaphore, #tpu.memory_space<semaphore_mem>>, %arg14: memref<!tpu.dma_semaphore, #tpu.memory_space<semaphore_mem>>, %arg15: memref<!tpu.dma_semaphore, #tpu.memory_space<semaphore_mem>>, %arg16: memref<!tpu.dma_semaphore, #tpu.memory_space<semaphore_mem>>) attributes {dimension_semantics = [#tpu.dimension_semantics<core_parallel>, #tpu.dimension_semantics<subcore_parallel>], iteration_bounds = array<i64: 2, 16>, scalar_prefetch = 0 : i64, scratch_operands = 12 : i64, tpu.core_type = #tpu.core_type<sc_vector_subcore>, window_params = [{transform_indices = #map}, {transform_indices = #map1}, {transform_indices = #map}]} {
    %mul3A = arith.constant 2 : i32
    %mul3A_0 = arith.muli %arg1, %mul3A : i32
    %add3A = arith.addi %mul3A_0, %arg0 : i32
    %mul3A_1 = arith.constant 624 : i32
    %mul3A_2 = arith.muli %arg1, %mul3A_1 : i32
    %mul3A_3 = arith.constant 624 : i32
    %mul3A_4 = arith.muli %arg1, %mul3A_3 : i32
    %dma_start3A = arith.constant 0 : i32
    %dma_start3A_5 = tpu.memref_slice %arg5[%mul3A_4, %dma_start3A] : memref<10000x128xf32, #tpu.memory_space<vmem_shared>> -> memref<624x128xf32, #tpu.memory_space<vmem_shared>>
    %dma_start3A_6 = arith.constant 0 : i32
    %dma_start3A_7 = tpu.memref_slice %arg2[%mul3A_2, %dma_start3A_6] : memref<10000x128xf32, #tpu.memory_space<hbm>> -> memref<624x128xf32, #tpu.memory_space<hbm>>
    tpu.enqueue_dma source(%dma_start3A_7 : memref<624x128xf32, #tpu.memory_space<hbm>>) target(%dma_start3A_5 : memref<624x128xf32, #tpu.memory_space<vmem_shared>>) target_semaphore(%arg16 : memref<!tpu.dma_semaphore, #tpu.memory_space<semaphore_mem>>)
    %eq3A = arith.constant 0 : i32
    %eq3A_8 = arith.cmpi eq, %arg1, %eq3A : i32
    %convert_element_type3A = arith.extui %eq3A_8 : i1 to i32
    %cond3A = arith.constant 0 : i32
    %cond3A_9 = arith.cmpi ne, %convert_element_type3A, %cond3A : i32
    scf.if %cond3A_9 {
      %dma_start3A_81 = arith.constant 9984 : i32
      %dma_start3A_82 = arith.constant 0 : i32
      %dma_start3A_83 = tpu.memref_slice %arg5[%dma_start3A_81, %dma_start3A_82] : memref<10000x128xf32, #tpu.memory_space<vmem_shared>> -> memref<16x128xf32, #tpu.memory_space<vmem_shared>>
      %dma_start3A_84 = arith.constant 9984 : i32
      %dma_start3A_85 = arith.constant 0 : i32
      %dma_start3A_86 = tpu.memref_slice %arg2[%dma_start3A_84, %dma_start3A_85] : memref<10000x128xf32, #tpu.memory_space<hbm>> -> memref<16x128xf32, #tpu.memory_space<hbm>>
      tpu.enqueue_dma source(%dma_start3A_86 : memref<16x128xf32, #tpu.memory_space<hbm>>) target(%dma_start3A_83 : memref<16x128xf32, #tpu.memory_space<vmem_shared>>) target_semaphore(%arg16 : memref<!tpu.dma_semaphore, #tpu.memory_space<semaphore_mem>>)
    } else {
    }
    "tpu.region"() ({
      %run_scoped3A = tpu.sem_alloc : memref<!tpu.dma_semaphore, #tpu.memory_space<semaphore_mem>>
      %dma_start3A_81 = arith.constant 0 : i32
      %dma_start3A_82 = arith.constant 0 : i32
      %dma_start3A_83 = tpu.memref_slice %arg3[%add3A, %dma_start3A_81, %dma_start3A_82] : memref<32x125x80xi32, #tpu.memory_space<hbm>> -> memref<1x125x80xi32, #tpu.memory_space<hbm>>
      %dma_start3A_84 = tpu.memref_squeeze %dma_start3A_83 : memref<1x125x80xi32, #tpu.memory_space<hbm>> -> memref<125x80xi32, #tpu.memory_space<hbm>>
      %dma_start3A_85 = arith.constant 0 : i32
      %dma_start3A_86 = arith.constant 0 : i32
      %dma_start3A_87 = tpu.memref_slice %arg3[%add3A, %dma_start3A_85, %dma_start3A_86] : memref<32x125x80xi32, #tpu.memory_space<hbm>> -> memref<1x125x80xi32, #tpu.memory_space<hbm>>
      %dma_start3A_88 = tpu.memref_squeeze %dma_start3A_87 : memref<1x125x80xi32, #tpu.memory_space<hbm>> -> memref<125x80xi32, #tpu.memory_space<hbm>>
      tpu.enqueue_dma source(%dma_start3A_88 : memref<125x80xi32, #tpu.memory_space<hbm>>) target(%arg6 : memref<125x80xi32, #tpu.memory_space<vmem>>) target_semaphore(%run_scoped3A : memref<!tpu.dma_semaphore, #tpu.memory_space<semaphore_mem>>)
      %dma_wait3A_89 = arith.constant 0 : i32
      %dma_wait3A_90 = arith.constant 0 : i32
      %dma_wait3A_91 = tpu.memref_slice %arg3[%add3A, %dma_wait3A_89, %dma_wait3A_90] : memref<32x125x80xi32, #tpu.memory_space<hbm>> -> memref<1x125x80xi32, #tpu.memory_space<hbm>>
      %dma_wait3A_92 = tpu.memref_squeeze %dma_wait3A_91 : memref<1x125x80xi32, #tpu.memory_space<hbm>> -> memref<125x80xi32, #tpu.memory_space<hbm>>
      %dma_wait3A_93 = arith.constant 0 : i32
      %dma_wait3A_94 = arith.constant 0 : i32
      %dma_wait3A_95 = tpu.memref_slice %arg3[%add3A, %dma_wait3A_93, %dma_wait3A_94] : memref<32x125x80xi32, #tpu.memory_space<hbm>> -> memref<1x125x80xi32, #tpu.memory_space<hbm>>
      %dma_wait3A_96 = tpu.memref_squeeze %dma_wait3A_95 : memref<1x125x80xi32, #tpu.memory_space<hbm>> -> memref<125x80xi32, #tpu.memory_space<hbm>>
      tpu.wait_dma2 semaphore(%run_scoped3A : memref<!tpu.dma_semaphore, #tpu.memory_space<semaphore_mem>>) src(%dma_wait3A_96 : memref<125x80xi32, #tpu.memory_space<hbm>>) dst(%arg6 : memref<125x80xi32, #tpu.memory_space<vmem>>)
      tpu.yield
    }) : () -> ()
    %dma_start3A_10 = arith.constant 0 : i32
    %dma_start3A_11 = arith.constant 0 : i32
    %dma_start3A_12 = tpu.memref_slice %arg6[%dma_start3A_10, %dma_start3A_11] : memref<125x80xi32, #tpu.memory_space<vmem>> -> memref<1x80xi32, #tpu.memory_space<vmem>>
    %dma_start3A_13 = tpu.memref_squeeze %dma_start3A_12 : memref<1x80xi32, #tpu.memory_space<vmem>> -> memref<80xi32, #tpu.memory_space<vmem>>
    %dma_start3A_14 = arith.constant 0 : i32
    %dma_start3A_15 = arith.constant 0 : i32
    %dma_start3A_16 = tpu.memref_slice %arg2[%dma_start3A_14, %dma_start3A_15] : memref<10000x128xf32, #tpu.memory_space<hbm>> -> memref<10000x128xf32, #tpu.memory_space<hbm>>
    tpu.enqueue_indirect_dma source(%dma_start3A_16 : memref<10000x128xf32, #tpu.memory_space<hbm>>) target(%arg7 : memref<80x128xf32, #tpu.memory_space<vmem>>) offsets(%dma_start3A_13 : memref<80xi32, #tpu.memory_space<vmem>>) semaphore(%arg10 : memref<!tpu.dma_semaphore, #tpu.memory_space<semaphore_mem>>)
    %dma_start3A_17 = arith.constant 1 : i32
    %dma_start3A_18 = arith.constant 0 : i32
    %dma_start3A_19 = tpu.memref_slice %arg6[%dma_start3A_17, %dma_start3A_18] : memref<125x80xi32, #tpu.memory_space<vmem>> -> memref<1x80xi32, #tpu.memory_space<vmem>>
    %dma_start3A_20 = tpu.memref_squeeze %dma_start3A_19 : memref<1x80xi32, #tpu.memory_space<vmem>> -> memref<80xi32, #tpu.memory_space<vmem>>
    %dma_start3A_21 = arith.constant 0 : i32
    %dma_start3A_22 = arith.constant 0 : i32
    %dma_start3A_23 = tpu.memref_slice %arg2[%dma_start3A_21, %dma_start3A_22] : memref<10000x128xf32, #tpu.memory_space<hbm>> -> memref<10000x128xf32, #tpu.memory_space<hbm>>
    tpu.enqueue_indirect_dma source(%dma_start3A_23 : memref<10000x128xf32, #tpu.memory_space<hbm>>) target(%arg8 : memref<80x128xf32, #tpu.memory_space<vmem>>) offsets(%dma_start3A_20 : memref<80xi32, #tpu.memory_space<vmem>>) semaphore(%arg11 : memref<!tpu.dma_semaphore, #tpu.memory_space<semaphore_mem>>)
    %dma_wait3A = arith.constant 0 : i32
    %dma_wait3A_24 = tpu.memref_slice %arg5[%mul3A_4, %dma_wait3A] : memref<10000x128xf32, #tpu.memory_space<vmem_shared>> -> memref<624x128xf32, #tpu.memory_space<vmem_shared>>
    %dma_wait3A_25 = arith.constant 0 : i32
    %dma_wait3A_26 = tpu.memref_slice %arg2[%mul3A_2, %dma_wait3A_25] : memref<10000x128xf32, #tpu.memory_space<hbm>> -> memref<624x128xf32, #tpu.memory_space<hbm>>
    tpu.wait_dma2 semaphore(%arg16 : memref<!tpu.dma_semaphore, #tpu.memory_space<semaphore_mem>>) src(%dma_wait3A_26 : memref<624x128xf32, #tpu.memory_space<hbm>>) dst(%dma_wait3A_24 : memref<624x128xf32, #tpu.memory_space<vmem_shared>>)
    %eq3A_27 = arith.constant 0 : i32
    %eq3A_28 = arith.cmpi eq, %arg1, %eq3A_27 : i32
    %convert_element_type3A_29 = arith.extui %eq3A_28 : i1 to i32
    %cond3A_30 = arith.constant 0 : i32
    %cond3A_31 = arith.cmpi ne, %convert_element_type3A_29, %cond3A_30 : i32
    scf.if %cond3A_31 {
      %dma_wait3A_81 = arith.constant 9984 : i32
      %dma_wait3A_82 = arith.constant 0 : i32
      %dma_wait3A_83 = tpu.memref_slice %arg5[%dma_wait3A_81, %dma_wait3A_82] : memref<10000x128xf32, #tpu.memory_space<vmem_shared>> -> memref<16x128xf32, #tpu.memory_space<vmem_shared>>
      %dma_wait3A_84 = arith.constant 9984 : i32
      %dma_wait3A_85 = arith.constant 0 : i32
      %dma_wait3A_86 = tpu.memref_slice %arg2[%dma_wait3A_84, %dma_wait3A_85] : memref<10000x128xf32, #tpu.memory_space<hbm>> -> memref<16x128xf32, #tpu.memory_space<hbm>>
      tpu.wait_dma2 semaphore(%arg16 : memref<!tpu.dma_semaphore, #tpu.memory_space<semaphore_mem>>) src(%dma_wait3A_86 : memref<16x128xf32, #tpu.memory_space<hbm>>) dst(%dma_wait3A_83 : memref<16x128xf32, #tpu.memory_space<vmem_shared>>)
    } else {
    }
    %barrier3A = arith.constant 0 : index
    tpu.barrier barrier_id(%barrier3A)
    %scan3A = arith.constant 0 : i32
    %scan3A_32 = arith.constant 0 : i32
    %scan3A_33 = arith.constant 41 : i32
    %scan3A_34 = arith.addi %scan3A_32, %scan3A_33 : i32
    %scan3A_35 = arith.constant 1 : i32
    scf.for %scan3A_81 = %scan3A_32 to %scan3A_34 step %scan3A_35  : i32 {
      %mul3A_82 = arith.constant 3 : i32
      %mul3A_83 = arith.muli %scan3A_81, %mul3A_82 : i32
      %add3A_84 = arith.constant 0 : i32
      %add3A_85 = arith.addi %mul3A_83, %add3A_84 : i32
      %ge3A = arith.constant 1 : i32
      %ge3A_86 = arith.cmpi sge, %add3A_85, %ge3A : i32
      %convert_element_type3A_87 = arith.extui %ge3A_86 : i1 to i32
      %cond3A_88 = arith.constant 0 : i32
      %cond3A_89 = arith.cmpi ne, %convert_element_type3A_87, %cond3A_88 : i32
      scf.if %cond3A_89 {
        %sub3A_165 = arith.constant 1 : i32
        %sub3A_166 = arith.subi %add3A_85, %sub3A_165 : i32
        %mul3A_167 = arith.constant 80 : i32
        %mul3A_168 = arith.muli %sub3A_166, %mul3A_167 : i32
        %mul3A_169 = arith.constant 128 : i32
        %mul3A_170 = arith.muli %add3A, %mul3A_169 : i32
        %dma_wait3A_171 = tpu.memref_slice %arg4[%mul3A_168, %mul3A_170] : memref<10000x4096xf32, #tpu.memory_space<hbm>> -> memref<80x128xf32, #tpu.memory_space<hbm>>
        %dma_wait3A_172 = tpu.memref_slice %arg4[%mul3A_168, %mul3A_170] : memref<10000x4096xf32, #tpu.memory_space<hbm>> -> memref<80x128xf32, #tpu.memory_space<hbm>>
        tpu.wait_dma2 semaphore(%arg15 : memref<!tpu.dma_semaphore, #tpu.memory_space<semaphore_mem>>) src(%arg9 : memref<80x128xf32, #tpu.memory_space<vmem>>) dst(%dma_wait3A_172 : memref<80x128xf32, #tpu.memory_space<hbm>>)
      } else {
      }
      %add3A_90 = arith.constant 3 : i32
      %add3A_91 = arith.addi %add3A_85, %add3A_90 : i32
      %sub3A = arith.constant 1 : i32
      %sub3A_92 = arith.subi %add3A_91, %sub3A : i32
      %lt3A = arith.constant 125 : i32
      %lt3A_93 = arith.cmpi slt, %sub3A_92, %lt3A : i32
      %convert_element_type3A_94 = arith.extui %lt3A_93 : i1 to i32
      %cond3A_95 = arith.constant 0 : i32
      %cond3A_96 = arith.cmpi ne, %convert_element_type3A_94, %cond3A_95 : i32
      scf.if %cond3A_96 {
        %add3A_165 = arith.constant 3 : i32
        %add3A_166 = arith.addi %add3A_85, %add3A_165 : i32
        %sub3A_167 = arith.constant 1 : i32
        %sub3A_168 = arith.subi %add3A_166, %sub3A_167 : i32
        %dma_start3A_169 = arith.constant 0 : i32
        %dma_start3A_170 = tpu.memref_slice %arg6[%sub3A_168, %dma_start3A_169] : memref<125x80xi32, #tpu.memory_space<vmem>> -> memref<1x80xi32, #tpu.memory_space<vmem>>
        %dma_start3A_171 = tpu.memref_squeeze %dma_start3A_170 : memref<1x80xi32, #tpu.memory_space<vmem>> -> memref<80xi32, #tpu.memory_space<vmem>>
        %dma_start3A_172 = arith.constant 0 : i32
        %dma_start3A_173 = arith.constant 0 : i32
        %dma_start3A_174 = tpu.memref_slice %arg5[%dma_start3A_172, %dma_start3A_173] : memref<10000x128xf32, #tpu.memory_space<vmem_shared>> -> memref<10000x128xf32, #tpu.memory_space<vmem_shared>>
        tpu.enqueue_indirect_dma source(%dma_start3A_174 : memref<10000x128xf32, #tpu.memory_space<vmem_shared>>) target(%arg9 : memref<80x128xf32, #tpu.memory_space<vmem>>) offsets(%dma_start3A_171 : memref<80xi32, #tpu.memory_space<vmem>>) semaphore(%arg12 : memref<!tpu.dma_semaphore, #tpu.memory_space<semaphore_mem>>)
      } else {
      }
      %dma_wait3A_97 = arith.constant 0 : i32
      %dma_wait3A_98 = tpu.memref_slice %arg6[%add3A_85, %dma_wait3A_97] : memref<125x80xi32, #tpu.memory_space<vmem>> -> memref<1x80xi32, #tpu.memory_space<vmem>>
      %dma_wait3A_99 = tpu.memref_squeeze %dma_wait3A_98 : memref<1x80xi32, #tpu.memory_space<vmem>> -> memref<80xi32, #tpu.memory_space<vmem>>
      %dma_wait3A_100 = arith.constant 0 : i32
      %dma_wait3A_101 = arith.constant 0 : i32
      %dma_wait3A_102 = tpu.memref_slice %arg5[%dma_wait3A_100, %dma_wait3A_101] : memref<10000x128xf32, #tpu.memory_space<vmem_shared>> -> memref<10000x128xf32, #tpu.memory_space<vmem_shared>>
      tpu.wait_indirect_dma semaphore(%arg10 : memref<!tpu.dma_semaphore, #tpu.memory_space<semaphore_mem>>) src(%dma_wait3A_102 : memref<10000x128xf32, #tpu.memory_space<vmem_shared>>) dst(%arg7 : memref<80x128xf32, #tpu.memory_space<vmem>>)
      %mul3A_103 = arith.constant 80 : i32
      %mul3A_104 = arith.muli %add3A_85, %mul3A_103 : i32
      %mul3A_105 = arith.constant 128 : i32
      %mul3A_106 = arith.muli %add3A, %mul3A_105 : i32
      %dma_start3A_107 = tpu.memref_slice %arg4[%mul3A_104, %mul3A_106] : memref<10000x4096xf32, #tpu.memory_space<hbm>> -> memref<80x128xf32, #tpu.memory_space<hbm>>
      %dma_start3A_108 = tpu.memref_slice %arg4[%mul3A_104, %mul3A_106] : memref<10000x4096xf32, #tpu.memory_space<hbm>> -> memref<80x128xf32, #tpu.memory_space<hbm>>
      tpu.enqueue_dma source(%arg7 : memref<80x128xf32, #tpu.memory_space<vmem>>) target(%dma_start3A_108 : memref<80x128xf32, #tpu.memory_space<hbm>>) target_semaphore(%arg13 : memref<!tpu.dma_semaphore, #tpu.memory_space<semaphore_mem>>)
      %add3A_109 = arith.constant 1 : i32
      %add3A_110 = arith.addi %mul3A_83, %add3A_109 : i32
      %ge3A_111 = arith.constant 1 : i32
      %ge3A_112 = arith.cmpi sge, %add3A_110, %ge3A_111 : i32
      %convert_element_type3A_113 = arith.extui %ge3A_112 : i1 to i32
      %cond3A_114 = arith.constant 0 : i32
      %cond3A_115 = arith.cmpi ne, %convert_element_type3A_113, %cond3A_114 : i32
      scf.if %cond3A_115 {
        %sub3A_165 = arith.constant 1 : i32
        %sub3A_166 = arith.subi %add3A_110, %sub3A_165 : i32
        %mul3A_167 = arith.constant 80 : i32
        %mul3A_168 = arith.muli %sub3A_166, %mul3A_167 : i32
        %mul3A_169 = arith.constant 128 : i32
        %mul3A_170 = arith.muli %add3A, %mul3A_169 : i32
        %dma_wait3A_171 = tpu.memref_slice %arg4[%mul3A_168, %mul3A_170] : memref<10000x4096xf32, #tpu.memory_space<hbm>> -> memref<80x128xf32, #tpu.memory_space<hbm>>
        %dma_wait3A_172 = tpu.memref_slice %arg4[%mul3A_168, %mul3A_170] : memref<10000x4096xf32, #tpu.memory_space<hbm>> -> memref<80x128xf32, #tpu.memory_space<hbm>>
        tpu.wait_dma2 semaphore(%arg13 : memref<!tpu.dma_semaphore, #tpu.memory_space<semaphore_mem>>) src(%arg7 : memref<80x128xf32, #tpu.memory_space<vmem>>) dst(%dma_wait3A_172 : memref<80x128xf32, #tpu.memory_space<hbm>>)
      } else {
      }
      %add3A_116 = arith.constant 3 : i32
      %add3A_117 = arith.addi %add3A_110, %add3A_116 : i32
      %sub3A_118 = arith.constant 1 : i32
      %sub3A_119 = arith.subi %add3A_117, %sub3A_118 : i32
      %lt3A_120 = arith.constant 125 : i32
      %lt3A_121 = arith.cmpi slt, %sub3A_119, %lt3A_120 : i32
      %convert_element_type3A_122 = arith.extui %lt3A_121 : i1 to i32
      %cond3A_123 = arith.constant 0 : i32
      %cond3A_124 = arith.cmpi ne, %convert_element_type3A_122, %cond3A_123 : i32
      scf.if %cond3A_124 {
        %add3A_165 = arith.constant 3 : i32
        %add3A_166 = arith.addi %add3A_110, %add3A_165 : i32
        %sub3A_167 = arith.constant 1 : i32
        %sub3A_168 = arith.subi %add3A_166, %sub3A_167 : i32
        %dma_start3A_169 = arith.constant 0 : i32
        %dma_start3A_170 = tpu.memref_slice %arg6[%sub3A_168, %dma_start3A_169] : memref<125x80xi32, #tpu.memory_space<vmem>> -> memref<1x80xi32, #tpu.memory_space<vmem>>
        %dma_start3A_171 = tpu.memref_squeeze %dma_start3A_170 : memref<1x80xi32, #tpu.memory_space<vmem>> -> memref<80xi32, #tpu.memory_space<vmem>>
        %dma_start3A_172 = arith.constant 0 : i32
        %dma_start3A_173 = arith.constant 0 : i32
        %dma_start3A_174 = tpu.memref_slice %arg5[%dma_start3A_172, %dma_start3A_173] : memref<10000x128xf32, #tpu.memory_space<vmem_shared>> -> memref<10000x128xf32, #tpu.memory_space<vmem_shared>>
        tpu.enqueue_indirect_dma source(%dma_start3A_174 : memref<10000x128xf32, #tpu.memory_space<vmem_shared>>) target(%arg7 : memref<80x128xf32, #tpu.memory_space<vmem>>) offsets(%dma_start3A_171 : memref<80xi32, #tpu.memory_space<vmem>>) semaphore(%arg10 : memref<!tpu.dma_semaphore, #tpu.memory_space<semaphore_mem>>)
      } else {
      }
      %dma_wait3A_125 = arith.constant 0 : i32
      %dma_wait3A_126 = tpu.memref_slice %arg6[%add3A_110, %dma_wait3A_125] : memref<125x80xi32, #tpu.memory_space<vmem>> -> memref<1x80xi32, #tpu.memory_space<vmem>>
      %dma_wait3A_127 = tpu.memref_squeeze %dma_wait3A_126 : memref<1x80xi32, #tpu.memory_space<vmem>> -> memref<80xi32, #tpu.memory_space<vmem>>
      %dma_wait3A_128 = arith.constant 0 : i32
      %dma_wait3A_129 = arith.constant 0 : i32
      %dma_wait3A_130 = tpu.memref_slice %arg5[%dma_wait3A_128, %dma_wait3A_129] : memref<10000x128xf32, #tpu.memory_space<vmem_shared>> -> memref<10000x128xf32, #tpu.memory_space<vmem_shared>>
      tpu.wait_indirect_dma semaphore(%arg11 : memref<!tpu.dma_semaphore, #tpu.memory_space<semaphore_mem>>) src(%dma_wait3A_130 : memref<10000x128xf32, #tpu.memory_space<vmem_shared>>) dst(%arg8 : memref<80x128xf32, #tpu.memory_space<vmem>>)
      %mul3A_131 = arith.constant 80 : i32
      %mul3A_132 = arith.muli %add3A_110, %mul3A_131 : i32
      %mul3A_133 = arith.constant 128 : i32
      %mul3A_134 = arith.muli %add3A, %mul3A_133 : i32
      %dma_start3A_135 = tpu.memref_slice %arg4[%mul3A_132, %mul3A_134] : memref<10000x4096xf32, #tpu.memory_space<hbm>> -> memref<80x128xf32, #tpu.memory_space<hbm>>
      %dma_start3A_136 = tpu.memref_slice %arg4[%mul3A_132, %mul3A_134] : memref<10000x4096xf32, #tpu.memory_space<hbm>> -> memref<80x128xf32, #tpu.memory_space<hbm>>
      tpu.enqueue_dma source(%arg8 : memref<80x128xf32, #tpu.memory_space<vmem>>) target(%dma_start3A_136 : memref<80x128xf32, #tpu.memory_space<hbm>>) target_semaphore(%arg14 : memref<!tpu.dma_semaphore, #tpu.memory_space<semaphore_mem>>)
      %add3A_137 = arith.constant 2 : i32
      %add3A_138 = arith.addi %mul3A_83, %add3A_137 : i32
      %ge3A_139 = arith.constant 1 : i32
      %ge3A_140 = arith.cmpi sge, %add3A_138, %ge3A_139 : i32
      %convert_element_type3A_141 = arith.extui %ge3A_140 : i1 to i32
      %cond3A_142 = arith.constant 0 : i32
      %cond3A_143 = arith.cmpi ne, %convert_element_type3A_141, %cond3A_142 : i32
      scf.if %cond3A_143 {
        %sub3A_165 = arith.constant 1 : i32
        %sub3A_166 = arith.subi %add3A_138, %sub3A_165 : i32
        %mul3A_167 = arith.constant 80 : i32
        %mul3A_168 = arith.muli %sub3A_166, %mul3A_167 : i32
        %mul3A_169 = arith.constant 128 : i32
        %mul3A_170 = arith.muli %add3A, %mul3A_169 : i32
        %dma_wait3A_171 = tpu.memref_slice %arg4[%mul3A_168, %mul3A_170] : memref<10000x4096xf32, #tpu.memory_space<hbm>> -> memref<80x128xf32, #tpu.memory_space<hbm>>
        %dma_wait3A_172 = tpu.memref_slice %arg4[%mul3A_168, %mul3A_170] : memref<10000x4096xf32, #tpu.memory_space<hbm>> -> memref<80x128xf32, #tpu.memory_space<hbm>>
        tpu.wait_dma2 semaphore(%arg14 : memref<!tpu.dma_semaphore, #tpu.memory_space<semaphore_mem>>) src(%arg8 : memref<80x128xf32, #tpu.memory_space<vmem>>) dst(%dma_wait3A_172 : memref<80x128xf32, #tpu.memory_space<hbm>>)
      } else {
      }
      %add3A_144 = arith.constant 3 : i32
      %add3A_145 = arith.addi %add3A_138, %add3A_144 : i32
      %sub3A_146 = arith.constant 1 : i32
      %sub3A_147 = arith.subi %add3A_145, %sub3A_146 : i32
      %lt3A_148 = arith.constant 125 : i32
      %lt3A_149 = arith.cmpi slt, %sub3A_147, %lt3A_148 : i32
      %convert_element_type3A_150 = arith.extui %lt3A_149 : i1 to i32
      %cond3A_151 = arith.constant 0 : i32
      %cond3A_152 = arith.cmpi ne, %convert_element_type3A_150, %cond3A_151 : i32
      scf.if %cond3A_152 {
        %add3A_165 = arith.constant 3 : i32
        %add3A_166 = arith.addi %add3A_138, %add3A_165 : i32
        %sub3A_167 = arith.constant 1 : i32
        %sub3A_168 = arith.subi %add3A_166, %sub3A_167 : i32
        %dma_start3A_169 = arith.constant 0 : i32
        %dma_start3A_170 = tpu.memref_slice %arg6[%sub3A_168, %dma_start3A_169] : memref<125x80xi32, #tpu.memory_space<vmem>> -> memref<1x80xi32, #tpu.memory_space<vmem>>
        %dma_start3A_171 = tpu.memref_squeeze %dma_start3A_170 : memref<1x80xi32, #tpu.memory_space<vmem>> -> memref<80xi32, #tpu.memory_space<vmem>>
        %dma_start3A_172 = arith.constant 0 : i32
        %dma_start3A_173 = arith.constant 0 : i32
        %dma_start3A_174 = tpu.memref_slice %arg5[%dma_start3A_172, %dma_start3A_173] : memref<10000x128xf32, #tpu.memory_space<vmem_shared>> -> memref<10000x128xf32, #tpu.memory_space<vmem_shared>>
        tpu.enqueue_indirect_dma source(%dma_start3A_174 : memref<10000x128xf32, #tpu.memory_space<vmem_shared>>) target(%arg8 : memref<80x128xf32, #tpu.memory_space<vmem>>) offsets(%dma_start3A_171 : memref<80xi32, #tpu.memory_space<vmem>>) semaphore(%arg11 : memref<!tpu.dma_semaphore, #tpu.memory_space<semaphore_mem>>)
      } else {
      }
      %dma_wait3A_153 = arith.constant 0 : i32
      %dma_wait3A_154 = tpu.memref_slice %arg6[%add3A_138, %dma_wait3A_153] : memref<125x80xi32, #tpu.memory_space<vmem>> -> memref<1x80xi32, #tpu.memory_space<vmem>>
      %dma_wait3A_155 = tpu.memref_squeeze %dma_wait3A_154 : memref<1x80xi32, #tpu.memory_space<vmem>> -> memref<80xi32, #tpu.memory_space<vmem>>
      %dma_wait3A_156 = arith.constant 0 : i32
      %dma_wait3A_157 = arith.constant 0 : i32
      %dma_wait3A_158 = tpu.memref_slice %arg5[%dma_wait3A_156, %dma_wait3A_157] : memref<10000x128xf32, #tpu.memory_space<vmem_shared>> -> memref<10000x128xf32, #tpu.memory_space<vmem_shared>>
      tpu.wait_indirect_dma semaphore(%arg12 : memref<!tpu.dma_semaphore, #tpu.memory_space<semaphore_mem>>) src(%dma_wait3A_158 : memref<10000x128xf32, #tpu.memory_space<vmem_shared>>) dst(%arg9 : memref<80x128xf32, #tpu.memory_space<vmem>>)
      %mul3A_159 = arith.constant 80 : i32
      %mul3A_160 = arith.muli %add3A_138, %mul3A_159 : i32
      %mul3A_161 = arith.constant 128 : i32
      %mul3A_162 = arith.muli %add3A, %mul3A_161 : i32
      %dma_start3A_163 = tpu.memref_slice %arg4[%mul3A_160, %mul3A_162] : memref<10000x4096xf32, #tpu.memory_space<hbm>> -> memref<80x128xf32, #tpu.memory_space<hbm>>
      %dma_start3A_164 = tpu.memref_slice %arg4[%mul3A_160, %mul3A_162] : memref<10000x4096xf32, #tpu.memory_space<hbm>> -> memref<80x128xf32, #tpu.memory_space<hbm>>
      tpu.enqueue_dma source(%arg9 : memref<80x128xf32, #tpu.memory_space<vmem>>) target(%dma_start3A_164 : memref<80x128xf32, #tpu.memory_space<hbm>>) target_semaphore(%arg15 : memref<!tpu.dma_semaphore, #tpu.memory_space<semaphore_mem>>)
    }
    %scan3A_36 = arith.constant 41 : i32
    %mul3A_37 = arith.constant 128 : i32
    %mul3A_38 = arith.muli %add3A, %mul3A_37 : i32
    %dma_wait3A_39 = arith.constant 9760 : i32
    %dma_wait3A_40 = tpu.memref_slice %arg4[%dma_wait3A_39, %mul3A_38] : memref<10000x4096xf32, #tpu.memory_space<hbm>> -> memref<80x128xf32, #tpu.memory_space<hbm>>
    %dma_wait3A_41 = arith.constant 9760 : i32
    %dma_wait3A_42 = tpu.memref_slice %arg4[%dma_wait3A_41, %mul3A_38] : memref<10000x4096xf32, #tpu.memory_space<hbm>> -> memref<80x128xf32, #tpu.memory_space<hbm>>
    tpu.wait_dma2 semaphore(%arg15 : memref<!tpu.dma_semaphore, #tpu.memory_space<semaphore_mem>>) src(%arg9 : memref<80x128xf32, #tpu.memory_space<vmem>>) dst(%dma_wait3A_42 : memref<80x128xf32, #tpu.memory_space<hbm>>)
    %dma_wait3A_43 = arith.constant 123 : i32
    %dma_wait3A_44 = arith.constant 0 : i32
    %dma_wait3A_45 = tpu.memref_slice %arg6[%dma_wait3A_43, %dma_wait3A_44] : memref<125x80xi32, #tpu.memory_space<vmem>> -> memref<1x80xi32, #tpu.memory_space<vmem>>
    %dma_wait3A_46 = tpu.memref_squeeze %dma_wait3A_45 : memref<1x80xi32, #tpu.memory_space<vmem>> -> memref<80xi32, #tpu.memory_space<vmem>>
    %dma_wait3A_47 = arith.constant 0 : i32
    %dma_wait3A_48 = arith.constant 0 : i32
    %dma_wait3A_49 = tpu.memref_slice %arg5[%dma_wait3A_47, %dma_wait3A_48] : memref<10000x128xf32, #tpu.memory_space<vmem_shared>> -> memref<10000x128xf32, #tpu.memory_space<vmem_shared>>
    tpu.wait_indirect_dma semaphore(%arg10 : memref<!tpu.dma_semaphore, #tpu.memory_space<semaphore_mem>>) src(%dma_wait3A_49 : memref<10000x128xf32, #tpu.memory_space<vmem_shared>>) dst(%arg7 : memref<80x128xf32, #tpu.memory_space<vmem>>)
    %mul3A_50 = arith.constant 128 : i32
    %mul3A_51 = arith.muli %add3A, %mul3A_50 : i32
    %dma_start3A_52 = arith.constant 9840 : i32
    %dma_start3A_53 = tpu.memref_slice %arg4[%dma_start3A_52, %mul3A_51] : memref<10000x4096xf32, #tpu.memory_space<hbm>> -> memref<80x128xf32, #tpu.memory_space<hbm>>
    %dma_start3A_54 = arith.constant 9840 : i32
    %dma_start3A_55 = tpu.memref_slice %arg4[%dma_start3A_54, %mul3A_51] : memref<10000x4096xf32, #tpu.memory_space<hbm>> -> memref<80x128xf32, #tpu.memory_space<hbm>>
    tpu.enqueue_dma source(%arg7 : memref<80x128xf32, #tpu.memory_space<vmem>>) target(%dma_start3A_55 : memref<80x128xf32, #tpu.memory_space<hbm>>) target_semaphore(%arg13 : memref<!tpu.dma_semaphore, #tpu.memory_space<semaphore_mem>>)
    %mul3A_56 = arith.constant 128 : i32
    %mul3A_57 = arith.muli %add3A, %mul3A_56 : i32
    %dma_wait3A_58 = arith.constant 9840 : i32
    %dma_wait3A_59 = tpu.memref_slice %arg4[%dma_wait3A_58, %mul3A_57] : memref<10000x4096xf32, #tpu.memory_space<hbm>> -> memref<80x128xf32, #tpu.memory_space<hbm>>
    %dma_wait3A_60 = arith.constant 9840 : i32
    %dma_wait3A_61 = tpu.memref_slice %arg4[%dma_wait3A_60, %mul3A_57] : memref<10000x4096xf32, #tpu.memory_space<hbm>> -> memref<80x128xf32, #tpu.memory_space<hbm>>
    tpu.wait_dma2 semaphore(%arg13 : memref<!tpu.dma_semaphore, #tpu.memory_space<semaphore_mem>>) src(%arg7 : memref<80x128xf32, #tpu.memory_space<vmem>>) dst(%dma_wait3A_61 : memref<80x128xf32, #tpu.memory_space<hbm>>)
    %dma_wait3A_62 = arith.constant 124 : i32
    %dma_wait3A_63 = arith.constant 0 : i32
    %dma_wait3A_64 = tpu.memref_slice %arg6[%dma_wait3A_62, %dma_wait3A_63] : memref<125x80xi32, #tpu.memory_space<vmem>> -> memref<1x80xi32, #tpu.memory_space<vmem>>
    %dma_wait3A_65 = tpu.memref_squeeze %dma_wait3A_64 : memref<1x80xi32, #tpu.memory_space<vmem>> -> memref<80xi32, #tpu.memory_space<vmem>>
    %dma_wait3A_66 = arith.constant 0 : i32
    %dma_wait3A_67 = arith.constant 0 : i32
    %dma_wait3A_68 = tpu.memref_slice %arg5[%dma_wait3A_66, %dma_wait3A_67] : memref<10000x128xf32, #tpu.memory_space<vmem_shared>> -> memref<10000x128xf32, #tpu.memory_space<vmem_shared>>
    tpu.wait_indirect_dma semaphore(%arg11 : memref<!tpu.dma_semaphore, #tpu.memory_space<semaphore_mem>>) src(%dma_wait3A_68 : memref<10000x128xf32, #tpu.memory_space<vmem_shared>>) dst(%arg8 : memref<80x128xf32, #tpu.memory_space<vmem>>)
    %mul3A_69 = arith.constant 128 : i32
    %mul3A_70 = arith.muli %add3A, %mul3A_69 : i32
    %dma_start3A_71 = arith.constant 9920 : i32
    %dma_start3A_72 = tpu.memref_slice %arg4[%dma_start3A_71, %mul3A_70] : memref<10000x4096xf32, #tpu.memory_space<hbm>> -> memref<80x128xf32, #tpu.memory_space<hbm>>
    %dma_start3A_73 = arith.constant 9920 : i32
    %dma_start3A_74 = tpu.memref_slice %arg4[%dma_start3A_73, %mul3A_70] : memref<10000x4096xf32, #tpu.memory_space<hbm>> -> memref<80x128xf32, #tpu.memory_space<hbm>>
    tpu.enqueue_dma source(%arg8 : memref<80x128xf32, #tpu.memory_space<vmem>>) target(%dma_start3A_74 : memref<80x128xf32, #tpu.memory_space<hbm>>) target_semaphore(%arg14 : memref<!tpu.dma_semaphore, #tpu.memory_space<semaphore_mem>>)
    %mul3A_75 = arith.constant 128 : i32
    %mul3A_76 = arith.muli %add3A, %mul3A_75 : i32
    %dma_wait3A_77 = arith.constant 9920 : i32
    %dma_wait3A_78 = tpu.memref_slice %arg4[%dma_wait3A_77, %mul3A_76] : memref<10000x4096xf32, #tpu.memory_space<hbm>> -> memref<80x128xf32, #tpu.memory_space<hbm>>
    %dma_wait3A_79 = arith.constant 9920 : i32
    %dma_wait3A_80 = tpu.memref_slice %arg4[%dma_wait3A_79, %mul3A_76] : memref<10000x4096xf32, #tpu.memory_space<hbm>> -> memref<80x128xf32, #tpu.memory_space<hbm>>
    tpu.wait_dma2 semaphore(%arg14 : memref<!tpu.dma_semaphore, #tpu.memory_space<semaphore_mem>>) src(%arg8 : memref<80x128xf32, #tpu.memory_space<vmem>>) dst(%dma_wait3A_80 : memref<80x128xf32, #tpu.memory_space<hbm>>)
    return
  }
}

</mosaic_0001>

<sc_bundles>
// kernel: kernel.3.cloned.1.call-start
scs
__scs_entry_jumppad:
0x0: {  	(pc) =	sbr.rel $0x88, $3  }
0x1: {  	(tag) =	ssettag $0x0;
	lr =	simm.s32 $0x1  }
0x2: {  	[smem:$0x3F9F] =	sst lr;
	_ =	strace $0xD0000000  }
0x3: {  	_ = 	snop  }
0x4: {  	_ = 	snop  }
0x5: {  	_ = 	snop  }
0x6: {  	_ = 	snop  }
0x7: {  	_ = 	snop  }
__scs_overlays_trampoline_lowered:
0x8: {  	[smem:$0x3FAE] =	sst s0  }
0x9: {  	[smem:$0x3FAF] =	sst s1  }
0xa: {  	[smem:$0x3FB0] =	sst s2  }
0xb: {  	[smem:$0x3FB1] =	sst s3  }
0xc: {  	[smem:$0x3FB2] =	sst s4  }
0xd: {  	[smem:$0x3FB3] =	sst s5  }
0xe: {  	[smem:$0x3FB4] =	sst s6  }
0xf: {  	[smem:$0x3FB5] =	sst s7  }
0x10: {  	[smem:$0x3FB6] =	sst s8  }
0x11: {  	[smem:$0x3FB7] =	sst s9;
	s0 =	simm.s32 @!p0 $0x0  }
0x12: {  	s1 =	sld [smem:$0x3F9D];
	s0 =	simm.s32 @p0 $0x1  }
0x13: {  	[smem:$0x3FB8] =	sst s0;
	s0 =	simm.s32 @!p1 $0x0  }
0x14: {  	s2 =	sld [smem:$0x3F9C];
	s0 =	simm.s32 @p1 $0x1  }
0x15: {  	[smem:$0x3FB9] =	sst s0;
	s0 =	simm.s32 @!p2 $0x0  }
0x16: {  	s3 =	sld [smem:$0x3FDB];
	s0 =	simm.s32 @p2 $0x1  }
0x17: {  	s4 =	simm.s32 $0x1BF5;
	[smem:$0x3FBB] =	sst s0  }
0x18: {  	s0 =	sld [smem:$0x3F9E];
	_ =	swait.ge [sflag:s4], $0x0  }
0x19: {  	s7 =	sld [smem:$0x3F9F]  }
0x1a: {  	s8 =	sadd.s32 $0xFFFFE003, lr  }
0x1b: {  	s9 =	sadd.s32 $0xFFFFFEF7, lr;
	s5 =	simm.s32 $0xFFFFFFFF;
	p2 =	slt.u32 s8, $0xFFFFF086  }
0x1c: {  	p1 =	slt.u32 s9, $0xF7A;
	s5 =	simm.s32 @!p2 $0x0  }
0x1d: {  	s5 =	simm.s32 @p1 $0x1;
	p0 =	seq.s32 s7, s2  }
0x1e: {  	s7 =	smul.u32 @!p0 $0xF7A, s2;
	p2 =	seq.s32 @!p0 s5, $0x0  }
0x1f: {  	s9 =	smul.u32 $0xF7A, s1;
	s8 =	simm.s32 @!p0 $0x1BF5;
	p2 =	por !p2, p0  }
0x20: {  	[sflag:s8] =	ssyncset.s32 @!p0 $0xFFFFF086;
	s6 =	sadd.s32 @!p0 s3, s7;
	s7 =	simm.s32 @!p0 $0x108  }
0x21: {  	s3 =	sadd.s32 s3, s9;
	s6 =	sadd.s32 @!p0 $0x88, s6;
	s7 =	simm.s32 @p2 $0x1082  }
0x22: {  	[simem:s7], [sflag:s8] =	dma.local @!p0 [hbm:s6], $0xF7A  }
0x23: {  	s9 =	sor.u32 $0xD0000000, s2;
	s6 =	simm.s32 $0x108;
	_ =	swait.ge @!p0 [sflag:s8], $0x0  }
0x24: {  	s3 =	sadd.s32 $0x88, s3;
	s6 =	simm.s32 @!p1 $0x1082;
	[sflag:s4] =	ssyncset.s32 $0xFFFFF086  }
0x25: {  	[simem:s6], [sflag:s4] =	dma.local [hbm:s3], $0xF7A  }
0x26: {  	[smem:$0x3F9F] =	sst s1;
	(tag) =	ssettag s2;
	_ =	strace s9  }
0x27: {  	s1 =	sld [smem:$0x3FAF]  }
0x28: {  	s2 =	sld [smem:$0x3FB0]  }
0x29: {  	s4 =	sld [smem:$0x3FB2]  }
0x2a: {  	p0 =	seq.s32 s5, $0x0;
	s5 =	sld [smem:$0x3FB3]  }
0x2b: {  	s6 =	sld [smem:$0x3FB4]  }
0x2c: {  	s7 =	sld [smem:$0x3FB5]  }
0x2d: {  	s3 =	simm.s32 $0x108;
	s8 =	sld [smem:$0x3FB6]  }
0x2e: {  	s3 =	simm.s32 @!p0 $0x1082;
	s9 =	sld [smem:$0x3FB7]  }
0x2f: {  	lr =	sadd.s32 s0, s3;
	s0 =	sld [smem:$0x3FAE]  }
0x30: {  	s3 =	sld [smem:$0x3FB1]  }
0x31: {  	[smem:$0x3FBA] =	sst s10  }
0x32: {  	s10 =	sld [smem:$0x3FB8];
	_ =	sdelay $0x3  }
0x33: {  	p0 =	seq.s32 s10, $0x1;
	s10 =	sld [smem:$0x3FBA];
	_ =	sdelay $0x3  }
0x34: {  	[smem:$0x3FBA] =	sst s10  }
0x35: {  	s10 =	sld [smem:$0x3FB9];
	_ =	sdelay $0x3  }
0x36: {  	p1 =	seq.s32 s10, $0x1;
	s10 =	sld [smem:$0x3FBA];
	_ =	sdelay $0x3  }
0x37: {  	[smem:$0x3FBA] =	sst s10  }
0x38: {  	s10 =	sld [smem:$0x3FBB]  }
0x39: {  	_ = 	snop;
	(pc) =	sbr.ind lr, $3  }
0x3a: {  	_ = 	snop  }
0x3b: {  	_ = 	snop  }
0x3c: {  	p2 =	seq.s32 s10, $0x1;
	s10 =	sld [smem:$0x3FBA]  }
0x3d: {  	_ =	shalt  }
0x3e: {  	_ =	shalt  }
0x3f: {  	_ =	shalt  }
0x40: {  	_ =	shalt  }
0x41: {  	_ =	shalt  }
0x42: {  	_ =	shalt  }
0x43: {  	_ =	shalt  }
0x44: {  	_ =	shalt  }
0x45: {  	_ =	shalt  }
0x46: {  	_ =	shalt  }
0x47: {  	_ =	shalt  }
0x48: {  	_ =	shalt  }
0x49: {  	_ =	shalt  }
0x4a: {  	_ =	shalt  }
0x4b: {  	_ =	shalt  }
0x4c: {  	_ =	shalt  }
0x4d: {  	_ =	shalt  }
0x4e: {  	_ =	shalt  }
0x4f: {  	_ =	shalt  }
0x50: {  	_ =	shalt  }
0x51: {  	_ =	shalt  }
0x52: {  	_ =	shalt  }
0x53: {  	_ =	shalt  }
0x54: {  	_ =	shalt  }
0x55: {  	_ =	shalt  }
0x56: {  	_ =	shalt  }
0x57: {  	_ =	shalt  }
0x58: {  	_ =	shalt  }
0x59: {  	_ =	shalt  }
0x5a: {  	_ =	shalt  }
0x5b: {  	_ =	shalt  }
0x5c: {  	_ =	shalt  }
0x5d: {  	_ =	shalt  }
0x5e: {  	_ =	shalt  }
0x5f: {  	_ =	shalt  }
0x60: {  	_ =	shalt  }
0x61: {  	_ =	shalt  }
0x62: {  	_ =	shalt  }
0x63: {  	_ =	shalt  }
0x64: {  	_ =	shalt  }
0x65: {  	_ =	shalt  }
0x66: {  	_ =	shalt  }
0x67: {  	_ =	shalt  }
0x68: {  	_ =	shalt  }
0x69: {  	_ =	shalt  }
0x6a: {  	_ =	shalt  }
0x6b: {  	_ =	shalt  }
0x6c: {  	_ =	shalt  }
0x6d: {  	_ =	shalt  }
0x6e: {  	_ =	shalt  }
0x6f: {  	_ =	shalt  }
0x70: {  	_ =	shalt  }
0x71: {  	_ =	shalt  }
0x72: {  	_ =	shalt  }
0x73: {  	_ =	shalt  }
0x74: {  	_ =	shalt  }
0x75: {  	_ =	shalt  }
0x76: {  	_ =	shalt  }
0x77: {  	_ =	shalt  }
0x78: {  	_ =	shalt  }
0x79: {  	_ =	shalt  }
0x7a: {  	_ =	shalt  }
0x7b: {  	_ =	shalt  }
0x7c: {  	_ =	shalt  }
0x7d: {  	_ =	shalt  }
0x7e: {  	_ =	shalt  }
0x7f: {  	_ =	shalt  }
0x80: {  	_ =	shalt  }
0x81: {  	_ =	shalt  }
0x82: {  	_ =	shalt  }
0x83: {  	_ =	shalt  }
0x84: {  	_ =	shalt  }
0x85: {  	_ =	shalt  }
0x86: {  	_ =	shalt  }
0x87: {  	_ =	shalt  }
.Lfunc_end0:
.L_simem_size_0:
called_computation_lowered:
.L_overlay_start_0:
0x88: {  	s2 =	sld [smem:$0x3FD9]  }
0x89: {  	s3 =	sld [smem:$0x3FFE];
	_ =	sdelay $0x1  }
0x8a: {  	s1 =	srdreg.scid  }
0x8b: {  	s0 =	sand.u32 $0x1, s1  }
0x8c: {  	s17 =	sshll.u32 s0, $0xA;
	s2 =	sadd.s32 s3, s2  }
0x8d: {  	s2 =	sadd.s32 s2, s17  }
0x8e: {  	[smem:$0x3FC6] =	sst s2  }
0x8f: {  	_ = 	snop  }
0x90: {  	s2 =	sld [smem:$0x3FC9]  }
0x91: {  	s18 =	sld [smem:$0x3FD0];
	(tm) =	ssettm $0x1  }
0x92: {  	s4 =	sld [smem:$0x3FFB];
	_ =	sdelay $0x3  }
0x93: {  	_ =	strace s4  }
0x94: {  	s4 =	sld [smem:$0x3FFC];
	_ =	sdelay $0x3  }
0x95: {  	_ =	strace s4  }
0x96: {  	s4 =	sld [smem:$0x3FFD];
	_ =	sdelay $0x3  }
0x97: {  	_ =	strace s4  }
0x98: {  	_ =	strace $0x8FFFFFFF  }
0x99: {  	s19 =	sld [smem:$0x3FDB];
	_ =	sdelay $0x1  }
0x9a: {  	s5 =	simm.s32 $_scs_section_size  }
0x9b: {  	s6 =	simm.s32 $_size__tile_overlayer_lowered;
	s7 =	simm.s32 $_tile_overlayer_lowered  }
0x9c: {  	s22 =	simm.s32 $0x1BFF;
	s21 =	sshll.u32 s7, $0x1;
	s4 =	sadd.s32 s5, s19  }
0x9d: {  	s8 =	simm.s32 $0x0;
	s20 =	sshll.u32 s6, $0x1;
	s6 =	sadd.s32 s21, s4  }
0x9e: {  	[timem:s8], [sflag:s22] =	dma.local [hbm:s6], s20  }
0x9f: {  	_ =	swait.ge [sflag:s22], s20  }
0xa0: {  	s5 =	ssub.s32 $0x0, s20;
	[sflag:s22] =	ssyncset.done $0x0  }
0xa1: {  	[sflag:s22] =	ssyncadd.s32 s5;
	_ =	sdelay $0x1  }
0xa2: {  	s23 =	simm.s32 $0x1B8B  }
0xa3: {  	_ =	swait.ge [sflag:s23], $0x1  }
0xa4: {  	[sflag:s23] =	ssyncset.done $0x0  }
0xa5: {  	s25 =	simm.s32 $0x1B8E;
	s24 =	sld [smem:$0x3FFE];
	[sflag:s23] =	ssyncadd.s32 $0xFFFFFFFF  }
0xa6: {  	s26 =	simm.s32 $execute0_lowered;
	[smem:$0x3FD2] =	sst s25  }
0xa7: {  	s6 =	sshll.u32 s26, $0x1;
	_ =	strace $0x80000046;
	[dreg:$0x1] =	wrdreg $0xFFFFFFFF  }
0xa8: {  	s28 =	simm.s32 $_size_execute0_lowered;
	s4 =	sadd.s32 s4, s6;
	[dreg:$0x0] =	wrdreg $0x0  }
0xa9: {  	s6 =	sshll.u32 s28, $0x1;
	[dreg:$0x2] =	wrdreg s4  }
0xaa: {  	[dreg:$0x3] =	wrdreg s6  }
0xab: {  	[dreg:$0x4] =	wrdreg $0xC0  }
0xac: {  	_ =	task [dreg:s8], $0x5FFFF  }
0xad: {  	[dreg:$0x1] =	wrdreg $0xFFFFFFFF  }
0xae: {  	[dreg:$0x0] =	wrdreg $0x60  }
0xaf: {  	[dreg:$0x2] =	wrdreg s2  }
0xb0: {  	[dreg:$0x3] =	wrdreg s24  }
0xb1: {  	[dreg:$0x4] =	wrdreg s18  }
0xb2: {  	[dreg:$0x5] =	wrdreg $0x0  }
0xb3: {  	[dreg:$0x6] =	wrdreg $0x9  }
0xb4: {  	_ =	task.clear_ibuf [dreg:s8], $0x7FFFF;
	_ =	strace $0x90000046  }
0xb5: {  	s29 =	simm.s32 $0x9;
	_ =	strace $0x80000048  }
0xb6: {  	_ =	swait.ge [sflag:s29], $0x1  }
0xb7: {  	[sflag:s29] =	ssyncadd.s32 $0xFFFFFFFF  }
0xb8: {  	_ =	strace $0x90000048  }
0xb9: {  	_ =	sfence  }
0xba: {  	s30 =	sld [smem:$0x0];
	_ =	sdelay $0x2  }
0xbb: {  	s31 =	sshll.u32 s1, $0xD;
	s1 =	sshrl.u32 s1, $0x2  }
0xbc: {  	s3 =	sand.u32 $0x4000, s31;
	s1 =	sadd.s32 s1, s30  }
0xbd: {  	s0 =	sor.u32 s3, s0;
	s1 =	sshll.u32 s1, $0x11  }
0xbe: {  	s0 =	sor.u32 s1, s0  }
0xbf: {  	s0 =	sadd.s32 $0x8F2B, s0  }
0xc0: {  	[sflag:s0] =	ssyncadd.remote.s32 $0x1  }
0xc1: {  	_ =	sfence.sel $0xFFFF  }
0xc2: {  	[dreg:$0x0] =	wrdreg $0xFFFFFFFF;
	(pc) =	sbr.abs _section_cstart, $3  }
0xc3: {  	[dreg:$0x1] =	wrdreg $0xFFFFFFFF  }
0xc4: {  	_ =	task.clear_ibuf [dreg:s8], $0x2FFFF;
	_ =	strace $0x9FFFFFFF  }
0xc5: {  	(tm) =	ssettm $0x7FFFFFFF  }
tec
execute0_lowered:
.L_overlay_start_1:
0x0: {  	(tag) =	ssettag $0x1  }
0x1: {  	s11 =	rddreg [dreg:$0x0]  }
0x2: {  	s0 =	rddreg [dreg:$0x1]  }
0x3: {  	s1 =	rddreg [dreg:$0x2];
	s2 =	srdreg.scid  }
0x4: {  	s4 =	stileid.u32;
	s3 =	rddreg [dreg:$0x3];
	s6 =	simm.s32 $0x0  }
0x5: {  	s29 =	simm.s32 $0x1C880;
	s30 =	simm.s32 $0x1;
	s31 =	simm.s32 $0x400  }
0x6: {  	s28 =	simm.s32 $0x2;
	s2 =	sand.u32 $0x1, s2;
	s7 =	smul.u32 $0x4E000, s4  }
0x7: {  	s5 =	sshll.u32 s4, $0x1;
	[smem:$0x7FF] =	sst s6;
	s9 =	smul.u32 $0x2700, s4  }
0x8: {  	s15 =	sshll.u32 s4, $0x6;
	s10 =	sadd.s32 $0x138000, s3;
	s16 =	sadd.s32 $0x27000, s11  }
0x9: {  	s18 =	sshll.u32 s4, $0xB;
	p0 =	sne.s32 s4, $0x0;
	s4 =	simm.s32 $0x4  }
0xa: {  	s5 =	sor.u32 s2, s5;
	_ =	strace $0x80000047;
	s14 =	ssub.s32 $0x2, s2  }
0xb: {  	s6 =	sor.u32 $0x1C07, s15;
	[dreg:$0x6] =	wrdreg s16;
	s13 =	sshll.u32 s5, $0xB  }
0xc: {  	s9 =	sadd.s32 s11, s9;
	s17 =	sshll.u32 s5, $0x7;
	s0 =	sadd.s32 s13, s0  }
0xd: {  	[dreg:$0x5] =	wrdreg s9;
	s9 =	sadd.s32 s1, s17;
	s0 =	sadd.s32 $0x400, s0  }
0xe: {  	s8 =	sshrl.u32 s14, $0x1;
	s19 =	sadd.s32 $0x4CE000, s9;
	[dreg:$0x7] =	wrdreg s0  }
0xf: {  	s8 =	ssub.s32 s14, s8;
	s20 =	sadd.s32 $0x4D8000, s9;
	[dreg:$0x8] =	wrdreg s19  }
0x10: {  	s2 =	sshll.u32 s2, $0xA;
	s21 =	smax.u32 s8, $0x1;
	[dreg:$0x9] =	wrdreg s20  }
0x11: {  	s7 =	sshrl.u32 s7, $0x2;
	s22 =	sadd.s32 $0xA000, s9;
	[dreg:$0xa] =	wrdreg s21  }
0x12: {  	s5 =	simm.s32 $0x6;
	s24 =	sadd.s32 $0x14000, s9;
	[dreg:$0xb] =	wrdreg s22  }
0x13: {  	s7 =	sadd.s32 s7, s3;
	s0 =	sor.u32 s2, s18;
	[dreg:$0xc] =	wrdreg s24  }
0x14: {  	s18 =	sshrl.u32 s7, $0x3;
	s19 =	sshrl.u32 @!p0 s10, $0x3;
	s21 =	simm.s32 $0x8  }
0x15: {  	s22 =	simm.s32 $0x50;
	s24 =	simm.s32 $0x5;
	s7 =	simm.s32 $0x0  }
0x16: {  	s23 =	sor.u32 $0x140000, s0;
	s25 =	sor.u32 $0x190000, s0;
	s16 =	sor.u32 $0xF0000, s0  }
0x17: {  	s0 =	simm.s32 $0x3;
	s2 =	sshrl.u32 s23, $0x3;
	s26 =	sshrl.u32 s25, $0x3  }
0x18: {  	s23 =	simm.s32 $0x17880;
	s25 =	simm.s32 $0x1A080;
	s15 =	sadd.s32 s2, s1  }
0x19: {  	s13 =	sadd.s32 s26, s1;
	s26 =	simm.s32 $0x7;
	s2 =	simm.s32 $0x8000  }
.LBB2_1:
0x1a: {  	s8 =	rddreg [dreg:$0x5]  }
0x1b: {  	[spmem:s18], [sflag:s6] =	dma.local [hbm:s8], $0x2700  }
0x1c: {  	s8 =	rddreg [dreg:$0x6]  }
0x1d: {  	[spmem:s19], [sflag:s6] =	dma.local @!p0 [hbm:s8], $0x100  }
0x1e: {  	s20 =	simm.s32 $0x0;
	s11 =	simm.s32 $0x13880;
	s10 =	rddreg [dreg:$0x7]  }
0x1f: {  	[tilespmem:s11], [sflag:$0x8] =	stream.linear.gather [hbm4b:s10+s20], $0x3E80, $0x38;
	[tilespmem:$0x1F080] =	vst v63  }
0x20: {  	_ =	swait.ge [sflag:s21], $0x3E80  }
0x21: {  	[sflag:s21] =	ssyncset.done $0x0  }
0x22: {  	[sflag:s21] =	ssyncadd.s32 $0xFFFFC180  }
0x23: {  	s10 =	rddreg [dreg:$0x0]  }
0x24: {  	[tilespmem:s23], [sflag:$0x1] =	stream.indirect.gather [hbm4b:s10+s22], $0x80, s11, s22, $0xb8;
	[tilespmem:$0x1F080] =	vst v63  }
0x25: {  	s12 =	simm.s32 $0x13900  }
0x26: {  	[tilespmem:s25], [sflag:$0x2] =	stream.indirect.gather [hbm4b:s10+s22], $0x80, s12, s22, $0xb8;
	[tilespmem:$0x1F080] =	vst v63  }
0x27: {  	_ =	swait.ge [sflag:s26], $0x2700  }
0x28: {  	[sflag:s26] =	ssyncset.done $0x0  }
0x29: {  	s8 =	simm.s32 @!p0 $0x7;
	[sflag:s26] =	ssyncadd.s32 $0xFFFFD900  }
0x2a: {  	_ =	swait.ge @!p0 [sflag:s8], $0x100  }
0x2b: {  	[sflag:s8] =	ssyncset.done @!p0 $0x0  }
0x2c: {  	[sflag:s8] =	ssyncadd.s32 @!p0 $0xFFFFFF00  }
0x2d: {  	s14 =	simm.s32 $0x13980;
	[bflag:$0x0] =	sbarrier.arrive $0xFFFF  }
0x2e: {  	[tilespmem:s29], [sflag:$0x3] =	stream.indirect.gather [spmem:s3], $0x80, s14, s22, $0xb8;
	[tilespmem:$0x1F080] =	vst v63  }
0x2f: {  	_ =	swait.ge [sflag:s30], $0x2800  }
0x30: {  	[sflag:s30] =	ssyncset.done $0x0  }
0x31: {  	[sflag:s30] =	ssyncadd.s32 $0xFFFFD800  }
0x32: {  	[hbm4b:s9+s31] =	stream.strided.scatter [tilespmem:s23], [sflag:$0x4], $0x2800, s2, s31, $0x38;
	[tilespmem:$0x1F080] =	vst v63  }
0x33: {  	_ =	swait.ge [sflag:s4], $0x2800  }
0x34: {  	[sflag:s4] =	ssyncset.done $0x0  }
0x35: {  	s17 =	simm.s32 $0x13A00;
	[sflag:s4] =	ssyncadd.s32 $0xFFFFD800  }
0x36: {  	[tilespmem:s23], [sflag:$0x1] =	stream.indirect.gather [spmem:s3], $0x80, s17, s22, $0xb8;
	[tilespmem:$0x1F080] =	vst v63  }
0x37: {  	_ =	swait.ge [sflag:s28], $0x2800  }
0x38: {  	[sflag:s28] =	ssyncset.done $0x0  }
0x39: {  	s20 =	rddreg [dreg:$0xb];
	[sflag:s28] =	ssyncadd.s32 $0xFFFFD800  }
0x3a: {  	[hbm4b:s20+s31] =	stream.strided.scatter [tilespmem:s25], [sflag:$0x5], $0x2800, s2, s31, $0x38;
	[tilespmem:$0x1F080] =	vst v63  }
0x3b: {  	_ =	swait.ge [sflag:s24], $0x2800  }
0x3c: {  	[sflag:s24] =	ssyncset.done $0x0  }
0x3d: {  	s10 =	simm.s32 $0x13A80;
	[sflag:s24] =	ssyncadd.s32 $0xFFFFD800  }
0x3e: {  	[tilespmem:s25], [sflag:$0x2] =	stream.indirect.gather [spmem:s3], $0x80, s10, s22, $0xb8;
	[tilespmem:$0x1F080] =	vst v63  }
0x3f: {  	_ =	swait.ge [sflag:s0], $0x2800  }
0x40: {  	[sflag:s0] =	ssyncset.done $0x0  }
0x41: {  	s11 =	rddreg [dreg:$0xc];
	[sflag:s0] =	ssyncadd.s32 $0xFFFFD800  }
0x42: {  	[hbm4b:s11+s31] =	stream.strided.scatter [tilespmem:s29], [sflag:$0x6], $0x2800, s2, s31, $0x38;
	[tilespmem:$0x1F080] =	vst v63  }
0x43: {  	_ =	swait.ge [sflag:s5], $0x2800  }
0x44: {  	[sflag:s5] =	ssyncset.done $0x0  }
0x45: {  	s12 =	simm.s32 $0x13B00;
	[sflag:s5] =	ssyncadd.s32 $0xFFFFD800  }
0x46: {  	[tilespmem:s29], [sflag:$0x3] =	stream.indirect.gather [spmem:s3], $0x80, s12, s22, $0xb8;
	[tilespmem:$0x1F080] =	vst v63  }
0x47: {  	_ =	swait.ge [sflag:s30], $0x2800  }
0x48: {  	s14 =	sshrl.u32 s16, $0x3;
	[sflag:s30] =	ssyncset.done $0x0  }
0x49: {  	s8 =	sadd.s32 s1, s14;
	[sflag:s30] =	ssyncadd.s32 $0xFFFFD800  }
0x4a: {  	[hbm4b:s8+s31] =	stream.strided.scatter [tilespmem:s23], [sflag:$0x4], $0x2800, s2, s31, $0x38;
	[tilespmem:$0x1F080] =	vst v63  }
0x4b: {  	_ =	swait.ge [sflag:s4], $0x2800  }
0x4c: {  	[sflag:s4] =	ssyncset.done $0x0  }
0x4d: {  	s17 =	simm.s32 $0x13B80;
	[sflag:s4] =	ssyncadd.s32 $0xFFFFD800  }
0x4e: {  	[tilespmem:s23], [sflag:$0x1] =	stream.indirect.gather [spmem:s3], $0x80, s17, s22, $0xb8;
	[tilespmem:$0x1F080] =	vst v63  }
0x4f: {  	_ =	swait.ge [sflag:s28], $0x2800  }
0x50: {  	[sflag:s28] =	ssyncset.done $0x0  }
0x51: {  	[sflag:s28] =	ssyncadd.s32 $0xFFFFD800  }
0x52: {  	[hbm4b:s15+s31] =	stream.strided.scatter [tilespmem:s25], [sflag:$0x5], $0x2800, s2, s31, $0x38;
	[tilespmem:$0x1F080] =	vst v63  }
0x53: {  	_ =	swait.ge [sflag:s24], $0x2800  }
0x54: {  	[sflag:s24] =	ssyncset.done $0x0  }
0x55: {  	s20 =	simm.s32 $0x13C00;
	[sflag:s24] =	ssyncadd.s32 $0xFFFFD800  }
0x56: {  	[tilespmem:s25], [sflag:$0x2] =	stream.indirect.gather [spmem:s3], $0x80, s20, s22, $0xb8;
	[tilespmem:$0x1F080] =	vst v63  }
0x57: {  	s10 =	sadd.s32 $0x1E000, s13;
	_ =	swait.ge [sflag:s0], $0x2800  }
0x58: {  	s11 =	sadd.s32 $0x1E000, s15;
	s12 =	sadd.s32 $0xF0000, s16;
	[sflag:s0] =	ssyncset.done $0x0  }
0x59: {  	s8 =	simm.s32 $0x600;
	s17 =	smov.u32 s13;
	[sflag:s0] =	ssyncadd.s32 $0xFFFFD800  }
.LBB2_2:
0x5a: {  	[hbm4b:s17+s31] =	stream.strided.scatter [tilespmem:s29], [sflag:$0x6], $0x2800, s2, s31, $0x38;
	[tilespmem:$0x1F080] =	vst v63  }
0x5b: {  	s14 =	smov.u32 s8;
	s17 =	smov.u32 s10  }
0x5c: {  	p1 =	sne.s32 s8, $0xEA00;
	s8 =	sadd.s32 $0x600, s8;
	_ =	swait.ge [sflag:s5], $0x2800  }
0x5d: {  	s14 =	sshra.s32 s14, $0x2;
	[sflag:s5] =	ssyncset.done $0x0  }
0x5e: {  	s20 =	sadd.s32 $0x13B00, s14;
	[sflag:s5] =	ssyncadd.s32 $0xFFFFD800  }
0x5f: {  	[tilespmem:s29], [sflag:$0x3] =	stream.indirect.gather [spmem:s3], $0x80, s20, s22, $0xb8;
	[tilespmem:$0x1F080] =	vst v63  }
0x60: {  	_ =	swait.ge [sflag:s30], $0x2800  }
0x61: {  	s20 =	sshrl.u32 s12, $0x3;
	[sflag:s30] =	ssyncset.done $0x0  }
0x62: {  	s20 =	sadd.s32 s1, s20;
	[sflag:s30] =	ssyncadd.s32 $0xFFFFD800  }
0x63: {  	[hbm4b:s20+s31] =	stream.strided.scatter [tilespmem:s23], [sflag:$0x4], $0x2800, s2, s31, $0x38;
	[tilespmem:$0x1F080] =	vst v63  }
0x64: {  	_ =	swait.ge [sflag:s4], $0x2800  }
0x65: {  	[sflag:s4] =	ssyncset.done $0x0  }
0x66: {  	s20 =	sadd.s32 $0x13B80, s14;
	[sflag:s4] =	ssyncadd.s32 $0xFFFFD800  }
0x67: {  	[tilespmem:s23], [sflag:$0x1] =	stream.indirect.gather [spmem:s3], $0x80, s20, s22, $0xb8;
	[tilespmem:$0x1F080] =	vst v63  }
0x68: {  	_ =	swait.ge [sflag:s28], $0x2800  }
0x69: {  	[sflag:s28] =	ssyncset.done $0x0  }
0x6a: {  	[sflag:s28] =	ssyncadd.s32 $0xFFFFD800  }
0x6b: {  	[hbm4b:s11+s31] =	stream.strided.scatter [tilespmem:s25], [sflag:$0x5], $0x2800, s2, s31, $0x38;
	[tilespmem:$0x1F080] =	vst v63  }
0x6c: {  	_ =	swait.ge [sflag:s24], $0x2800  }
0x6d: {  	[sflag:s24] =	ssyncset.done $0x0  }
.Ltmp0:
0x6e: {  	s14 =	sadd.s32 $0x13C00, s14;
	[sflag:s24] =	ssyncadd.s32 $0xFFFFD800;
	(pc) =	sbr.rel @p1 .LBB2_2-.Ltmp0, $4  }
0x6f: {  	[tilespmem:s25], [sflag:$0x2] =	stream.indirect.gather [spmem:s3], $0x80, s14, s22, $0xb8;
	[tilespmem:$0x1F080] =	vst v63  }
0x70: {  	_ =	swait.ge [sflag:s0], $0x2800  }
0x71: {  	s10 =	sadd.s32 $0x1E000, s10;
	[sflag:s0] =	ssyncset.done $0x0  }
0x72: {  	s12 =	sadd.s32 $0xF0000, s12;
	s11 =	sadd.s32 $0x1E000, s11;
	[sflag:s0] =	ssyncadd.s32 $0xFFFFD800  }
0x73: {  	[hbm4b:s17+s31] =	stream.strided.scatter [tilespmem:s29], [sflag:$0x6], $0x2800, s2, s31, $0x38;
	[tilespmem:$0x1F080] =	vst v63  }
0x74: {  	_ =	swait.ge [sflag:s5], $0x2800  }
0x75: {  	[sflag:s5] =	ssyncset.done $0x0  }
0x76: {  	[sflag:s5] =	ssyncadd.s32 $0xFFFFD800  }
0x77: {  	_ =	swait.ge [sflag:s30], $0x2800  }
0x78: {  	[sflag:s30] =	ssyncset.done $0x0  }
0x79: {  	s8 =	rddreg [dreg:$0x8];
	[sflag:s30] =	ssyncadd.s32 $0xFFFFD800  }
0x7a: {  	[hbm4b:s8+s31] =	stream.strided.scatter [tilespmem:s23], [sflag:$0x4], $0x2800, s2, s31, $0x38;
	[tilespmem:$0x1F080] =	vst v63  }
0x7b: {  	_ =	swait.ge [sflag:s4], $0x2800  }
0x7c: {  	[sflag:s4] =	ssyncset.done $0x0  }
0x7d: {  	[sflag:s4] =	ssyncadd.s32 $0xFFFFD800  }
0x7e: {  	_ =	swait.ge [sflag:s28], $0x2800  }
0x7f: {  	[sflag:s28] =	ssyncset.done $0x0  }
0x80: {  	s17 =	rddreg [dreg:$0x9];
	[sflag:s28] =	ssyncadd.s32 $0xFFFFD800  }
0x81: {  	[hbm4b:s17+s31] =	stream.strided.scatter [tilespmem:s25], [sflag:$0x5], $0x2800, s2, s31, $0x38;
	[tilespmem:$0x1F080] =	vst v63  }
0x82: {  	_ =	swait.ge [sflag:s24], $0x2800  }
0x83: {  	s7 =	sadd.s32 $0x1, s7;
	s20 =	rddreg [dreg:$0xa]  }
0x84: {  	p1 =	sne.s32 s7, s20  }
.Ltmp1:
0x85: {  	_ = 	snop;
	(pc) =	sbr.rel @p1 .LBB2_1-.Ltmp1, $3  }
0x86: {  	_ =	sdelay $0x1  }
0x87: {  	[sflag:s24] =	ssyncset.done $0x0  }
0x88: {  	[sflag:s24] =	ssyncadd.s32 $0xFFFFD800  }
0x89: {  	_ =	sfence.sel $0x180000  }
0x8a: {  	[bflag:$0x0] =	sbarrier.arrive $0xFFFF  }
0x8b: {  	_ =	strace $0x90000047  }
0x8c: {  	[bflag:$0x2] =	sbarrier.arrive $0xFFFF  }
0x8d: {  	s0 =	rddreg [dreg:$0x4]  }
0x8e: {  	s0 =	sadd.s32 @!p0 $0x100000, s0  }
0x8f: {  	[sflag:s0] =	ssyncadd.tile.s32 @!p0 $0x1;
	_ =	shalt  }
.Lfunc_end2:
_tile_overlayer_lowered:
.L_overlay_start_2:
0x90: {  	(tag) =	ssettag $0x2  }
0x91: {  	s0 =	rddreg [dreg:$0x0];
	s2 =	stileid.u32  }
0x92: {  	s1 =	rddreg [dreg:$0x1];
	p0 =	sne.s32 s2, $0x0  }
0x93: {  	s3 =	rddreg [dreg:$0x2];
	[bflag:$0x3] =	sbarrier.arrive $0xFFFF;
	s2 =	simm.s32 @!p0 $0x1C08  }
0x94: {  	[timem:s3], [sflag:s2] =	dma.local @!p0 [hbm:s0], s1  }
0x95: {  	s0 =	simm.s32 @!p0 $0x8  }
0x96: {  	_ =	swait.ge @!p0 [sflag:s0], s1  }
0x97: {  	s1 =	ssub.s32 @!p0 $0x0, s1;
	[sflag:s0] =	ssyncset.done @!p0 $0x0  }
0x98: {  	[sflag:s0] =	ssyncadd.s32 @!p0 s1  }
0x99: {  	[bflag:$0x3] =	sbarrier.arrive $0xFFFF  }
0x9a: {  	_ =	shalt  }

</sc_bundles>
